<compile_context>
chip_gen: v7x
topology: tpu7x:2x2x1
jax: 0.10.2.dev20260603
libtpu: 0.0.44.dev20260713+nightly
codegen_flags: <defaults>
</compile_context>

<pallas_src>
import functools

import jax
import jax.numpy as jnp
from jax import lax
from jax.experimental import pallas as pl
from jax.experimental.pallas import tpu as pltpu
from jax.experimental.pallas import tpu_sc as plsc

N_I = 256
N_P = 8192
N_C = 9
I_BLK = 32
NW = 32
I_W = N_I // NW
CP = 4096
NH = N_P // CP
LANES = 16


def _rot_plane_kernel(w_ref, x_ref, o_ref):
    w = w_ref[...]
    for d in range(3):
        acc = x_ref[0] * w[:, 3 * d : 3 * d + 1]
        acc += x_ref[1] * w[:, 3 * d + 1 : 3 * d + 2]
        acc += x_ref[2] * w[:, 3 * d + 2 : 3 * d + 3]
        o_ref[d] = acc


def _sc_copy_body(x_hbm, o_hbm, cpb, clsem, cssem):
    wid = lax.axis_index("s") * 2 + lax.axis_index("c")
    base = wid * I_W

    def cp_load(t, slot):
        plane = 3 + t // NH
        half = lax.rem(t, NH)
        return pltpu.make_async_copy(
            x_hbm.at[plane, pl.ds(base, I_W), pl.ds(half * CP, CP)],
            cpb.at[slot], clsem.at[slot])

    def cp_store(t, slot):
        plane = t // NH
        half = lax.rem(t, NH)
        return pltpu.make_async_copy(
            cpb.at[slot],
            o_hbm.at[plane, pl.ds(base, I_W), pl.ds(half * CP, CP)],
            cssem.at[slot])

    def cp_t(t, carry):
        slot = lax.rem(t, 2)
        @pl.when(t >= 2)
        def _():
            cp_store(t - 2, slot).wait()
        cp_load(t, slot).start()
        cp_load(t, slot).wait()
        cp_store(t, slot).start()
        return carry

    n_t = (N_C - 3) * NH
    lax.fori_loop(0, n_t, cp_t, 0)
    cp_store(n_t - 2, lax.rem(n_t - 2, 2)).wait()
    cp_store(n_t - 1, lax.rem(n_t - 1, 2)).wait()


@functools.partial(jax.jit, static_argnames=("interpret",))
def kernel(points_colored_instance, rot_mats, interpret=False):
    xt = jnp.transpose(points_colored_instance, (2, 0, 1))
    w = rot_mats.reshape(N_I, 9)
    rot = pl.pallas_call(
        _rot_plane_kernel,
        grid=(N_I // I_BLK,),
        in_specs=[
            pl.BlockSpec((I_BLK, 9), lambda i: (i, 0)),
            pl.BlockSpec((3, I_BLK, N_P), lambda i: (0, i, 0)),
        ],
        out_specs=pl.BlockSpec((3, I_BLK, N_P), lambda i: (0, i, 0)),
        out_shape=jax.ShapeDtypeStruct((3, N_I, N_P), jnp.float32),
        interpret=interpret,
    )(w, xt)
    mesh = plsc.VectorSubcoreMesh(core_axis_name="c", subcore_axis_name="s")
    cp = pl.kernel(
        _sc_copy_body,
        out_type=jax.ShapeDtypeStruct((N_C - 3, N_I, N_P), jnp.float32),
        mesh=mesh,
        scratch_types=[
            pltpu.VMEM((2, I_W, CP), jnp.float32),
            pltpu.SemaphoreType.DMA((2,)),
            pltpu.SemaphoreType.DMA((2,)),
        ],
        interpret=interpret,
    )(xt)
    out = jnp.concatenate([rot, cp], axis=0)
    return jnp.transpose(out, (1, 2, 0))

# --- scband reference (transcript-rebuilt; emitter-appended) ---
"""Pipeline reference for scband-rotation-objects-65335042506989 (READ-ONLY COPY).

The authoritative reference and input builder live on the scoring server;
editing this copy changes nothing except your own understanding.
"""

import jax, jax.numpy as jnp
import numpy as np

N_INST = 256
N_PTS = 8192
N_CH = 9


def _sample_rotations(key, n):
    # Deterministic stand-in for utils_geometry.sample_rotation():
    # random Gaussian matrices -> QR -> proper rotation (det = +1).
    a = jax.random.normal(key, (n, 3, 3), dtype=jnp.float32)
    q, r = jnp.linalg.qr(a)
    d = jnp.sign(jnp.diagonal(r, axis1=-2, axis2=-1))
    d = jnp.where(d == 0, 1.0, d)
    q = q * d[:, None, :]
    det = jnp.linalg.det(q)
    q = q.at[:, :, 0].multiply(det[:, None])
    return q.astype(jnp.float32)


def setup_inputs(seed: int = 0) -> dict:
    key = jax.random.key(seed)
    k1, k2 = jax.random.split(key)
    points = jax.random.normal(k1, (N_INST, N_PTS, N_CH), dtype=jnp.float32)
    rot_mats = _sample_rotations(k2, N_INST)
    return {"points_colored_instance": points, "rot_mats": rot_mats}


def reference(points_colored_instance, rot_mats):
    # For each instance i (prob=1.0 -> every instance is rotated):
    #   scan['points_colored_instance'][i, :, :3] = xyz_i @ R_i.T
    # implemented as a batched matmul + channel-slice scatter-overwrite.
    xyz = points_colored_instance[:, :, :3]
    # (xyz @ R.T)_d = sum_c xyz_c * R[d, c]
    rotated = jnp.einsum('ipc,idc->ipd', xyz, rot_mats)
    out = points_colored_instance.at[:, :, :3].set(rotated)
    return out

if __name__ == "__main__":
    import jax
    _d = setup_inputs()
    print(jax.jit(kernel)(*tuple(_d.values())))

</pallas_src>

<mosaic_0001>
#map = affine_map<(d0, d1) -> (0, 0, 0)>
module attributes {stable_mosaic.version = 14 : i64} {
  func.func @_sc_copy_body(%arg0: i32, %arg1: i32, %arg2: memref<9x256x8192xf32, #tpu.memory_space<hbm>>, %arg3: memref<6x256x8192xf32, #tpu.memory_space<hbm>>, %arg4: memref<2x8x4096xf32, #tpu.memory_space<vmem>>, %arg5: memref<2x!tpu.dma_semaphore, #tpu.memory_space<semaphore_mem>>, %arg6: memref<2x!tpu.dma_semaphore, #tpu.memory_space<semaphore_mem>>) attributes {dimension_semantics = [#tpu.dimension_semantics<core_parallel>, #tpu.dimension_semantics<subcore_parallel>], iteration_bounds = array<i64: 2, 16>, scalar_prefetch = 0 : i64, scratch_operands = 3 : i64, tpu.core_type = #tpu.core_type<sc_vector_subcore>, window_params = [{transform_indices = #map}, {transform_indices = #map}]} {
    %mul3A = arith.constant 2 : i32
    %mul3A_0 = arith.muli %arg1, %mul3A : i32
    %add3A = arith.addi %mul3A_0, %arg0 : i32
    %mul3A_1 = arith.constant 8 : i32
    %mul3A_2 = arith.muli %add3A, %mul3A_1 : i32
    %scan3A = arith.constant 0 : i32
    %scan3A_3 = arith.constant 0 : i32
    %scan3A_4 = arith.constant 12 : i32
    %scan3A_5 = arith.addi %scan3A_3, %scan3A_4 : i32
    %scan3A_6 = arith.constant 1 : i32
    scf.for %scan3A_52 = %scan3A_3 to %scan3A_5 step %scan3A_6  : i32 {
      %rem3A_53 = arith.constant 2 : i32
      %rem3A_54 = arith.remsi %scan3A_52, %rem3A_53 : i32
      %ge3A = arith.constant 2 : i32
      %ge3A_55 = arith.cmpi sge, %scan3A_52, %ge3A : i32
      %convert_element_type3A = arith.extui %ge3A_55 : i1 to i32
      %cond3A = arith.constant 0 : i32
      %cond3A_56 = arith.cmpi ne, %convert_element_type3A, %cond3A : i32
      scf.if %cond3A_56 {
        %sub3A_179 = arith.constant 2 : i32
        %sub3A_180 = arith.subi %scan3A_52, %sub3A_179 : i32
        %jit3A_181 = arith.constant 2 : i32
        %div3A_182 = arith.divsi %sub3A_180, %jit3A_181 : i32
        %sign3A_183 = arith.constant 0 : i32
        %sign3A_184 = arith.cmpi sgt, %sub3A_180, %sign3A_183 : i32
        %sign3A_185 = arith.extui %sign3A_184 : i1 to i32
        %sign3A_186 = arith.constant 0 : i32
        %sign3A_187 = arith.cmpi slt, %sub3A_180, %sign3A_186 : i32
        %sign3A_188 = arith.extui %sign3A_187 : i1 to i32
        %sign3A_189 = arith.subi %sign3A_185, %sign3A_188 : i32
        %sign3A_190 = arith.constant 0 : i32
        %sign3A_191 = arith.cmpi sgt, %jit3A_181, %sign3A_190 : i32
        %sign3A_192 = arith.extui %sign3A_191 : i1 to i32
        %sign3A_193 = arith.constant 0 : i32
        %sign3A_194 = arith.cmpi slt, %jit3A_181, %sign3A_193 : i32
        %sign3A_195 = arith.extui %sign3A_194 : i1 to i32
        %sign3A_196 = arith.subi %sign3A_192, %sign3A_195 : i32
        %ne3A_197 = arith.cmpi ne, %sign3A_189, %sign3A_196 : i32
        %rem3A_198 = arith.remsi %sub3A_180, %jit3A_181 : i32
        %ne3A_199 = arith.constant 0 : i32
        %ne3A_200 = arith.cmpi ne, %rem3A_198, %ne3A_199 : i32
        %and3A_201 = arith.andi %ne3A_197, %ne3A_200 : i1
        %sub3A_202 = arith.constant 1 : i32
        %sub3A_203 = arith.subi %div3A_182, %sub3A_202 : i32
        %select_n3A_204 = arith.select %and3A_201, %sub3A_203, %div3A_182 : i32
        %rem3A_205 = arith.constant 2 : i32
        %rem3A_206 = arith.remsi %sub3A_180, %rem3A_205 : i32
        %mul3A_207 = arith.constant 4096 : i32
        %mul3A_208 = arith.muli %rem3A_206, %mul3A_207 : i32
        %dma_wait3A_209 = arith.constant 0 : i32
        %dma_wait3A_210 = arith.constant 0 : i32
        %dma_wait3A_211 = tpu.memref_slice %arg4[%rem3A_54, %dma_wait3A_209, %dma_wait3A_210] : memref<2x8x4096xf32, #tpu.memory_space<vmem>> -> memref<1x8x4096xf32, #tpu.memory_space<vmem>>
        %dma_wait3A_212 = tpu.memref_squeeze %dma_wait3A_211 : memref<1x8x4096xf32, #tpu.memory_space<vmem>> -> memref<8x4096xf32, #tpu.memory_space<vmem>>
        %dma_wait3A_213 = tpu.memref_slice %arg3[%select_n3A_204, %mul3A_2, %mul3A_208] : memref<6x256x8192xf32, #tpu.memory_space<hbm>> -> memref<1x8x4096xf32, #tpu.memory_space<hbm>>
        %dma_wait3A_214 = tpu.memref_squeeze %dma_wait3A_213 : memref<1x8x4096xf32, #tpu.memory_space<hbm>> -> memref<8x4096xf32, #tpu.memory_space<hbm>>
        %dma_wait3A_215 = tpu.memref_slice %arg6[%rem3A_54] : memref<2x!tpu.dma_semaphore, #tpu.memory_space<semaphore_mem>> -> memref<1x!tpu.dma_semaphore, #tpu.memory_space<semaphore_mem>>
        %dma_wait3A_216 = tpu.memref_squeeze %dma_wait3A_215 : memref<1x!tpu.dma_semaphore, #tpu.memory_space<semaphore_mem>> -> memref<!tpu.dma_semaphore, #tpu.memory_space<semaphore_mem>>
        %dma_wait3A_217 = tpu.memref_slice %arg3[%select_n3A_204, %mul3A_2, %mul3A_208] : memref<6x256x8192xf32, #tpu.memory_space<hbm>> -> memref<1x8x4096xf32, #tpu.memory_space<hbm>>
        %dma_wait3A_218 = tpu.memref_squeeze %dma_wait3A_217 : memref<1x8x4096xf32, #tpu.memory_space<hbm>> -> memref<8x4096xf32, #tpu.memory_space<hbm>>
        %dma_wait3A_219 = arith.constant 0 : i32
        %dma_wait3A_220 = arith.constant 0 : i32
        %dma_wait3A_221 = tpu.memref_slice %arg4[%rem3A_54, %dma_wait3A_219, %dma_wait3A_220] : memref<2x8x4096xf32, #tpu.memory_space<vmem>> -> memref<1x8x4096xf32, #tpu.memory_space<vmem>>
        %dma_wait3A_222 = tpu.memref_squeeze %dma_wait3A_221 : memref<1x8x4096xf32, #tpu.memory_space<vmem>> -> memref<8x4096xf32, #tpu.memory_space<vmem>>
        tpu.wait_dma2 semaphore(%dma_wait3A_216 : memref<!tpu.dma_semaphore, #tpu.memory_space<semaphore_mem>>) src(%dma_wait3A_222 : memref<8x4096xf32, #tpu.memory_space<vmem>>) dst(%dma_wait3A_218 : memref<8x4096xf32, #tpu.memory_space<hbm>>)
      } else {
      }
      %jit3A = arith.constant 2 : i32
      %div3A = arith.divsi %scan3A_52, %jit3A : i32
      %sign3A = arith.constant 0 : i32
      %sign3A_57 = arith.cmpi sgt, %scan3A_52, %sign3A : i32
      %sign3A_58 = arith.extui %sign3A_57 : i1 to i32
      %sign3A_59 = arith.constant 0 : i32
      %sign3A_60 = arith.cmpi slt, %scan3A_52, %sign3A_59 : i32
      %sign3A_61 = arith.extui %sign3A_60 : i1 to i32
      %sign3A_62 = arith.subi %sign3A_58, %sign3A_61 : i32
      %sign3A_63 = arith.constant 0 : i32
      %sign3A_64 = arith.cmpi sgt, %jit3A, %sign3A_63 : i32
      %sign3A_65 = arith.extui %sign3A_64 : i1 to i32
      %sign3A_66 = arith.constant 0 : i32
      %sign3A_67 = arith.cmpi slt, %jit3A, %sign3A_66 : i32
      %sign3A_68 = arith.extui %sign3A_67 : i1 to i32
      %sign3A_69 = arith.subi %sign3A_65, %sign3A_68 : i32
      %ne3A = arith.cmpi ne, %sign3A_62, %sign3A_69 : i32
      %rem3A_70 = arith.remsi %scan3A_52, %jit3A : i32
      %ne3A_71 = arith.constant 0 : i32
      %ne3A_72 = arith.cmpi ne, %rem3A_70, %ne3A_71 : i32
      %and3A = arith.andi %ne3A, %ne3A_72 : i1
      %sub3A = arith.constant 1 : i32
      %sub3A_73 = arith.subi %div3A, %sub3A : i32
      %select_n3A = arith.select %and3A, %sub3A_73, %div3A : i32
      %add3A_74 = arith.constant 3 : i32
      %add3A_75 = arith.addi %add3A_74, %select_n3A : i32
      %rem3A_76 = arith.constant 2 : i32
      %rem3A_77 = arith.remsi %scan3A_52, %rem3A_76 : i32
      %mul3A_78 = arith.constant 4096 : i32
      %mul3A_79 = arith.muli %rem3A_77, %mul3A_78 : i32
      %dma_start3A = arith.constant 0 : i32
      %dma_start3A_80 = arith.constant 0 : i32
      %dma_start3A_81 = tpu.memref_slice %arg4[%rem3A_54, %dma_start3A, %dma_start3A_80] : memref<2x8x4096xf32, #tpu.memory_space<vmem>> -> memref<1x8x4096xf32, #tpu.memory_space<vmem>>
      %dma_start3A_82 = tpu.memref_squeeze %dma_start3A_81 : memref<1x8x4096xf32, #tpu.memory_space<vmem>> -> memref<8x4096xf32, #tpu.memory_space<vmem>>
      %dma_start3A_83 = tpu.memref_slice %arg2[%add3A_75, %mul3A_2, %mul3A_79] : memref<9x256x8192xf32, #tpu.memory_space<hbm>> -> memref<1x8x4096xf32, #tpu.memory_space<hbm>>
      %dma_start3A_84 = tpu.memref_squeeze %dma_start3A_83 : memref<1x8x4096xf32, #tpu.memory_space<hbm>> -> memref<8x4096xf32, #tpu.memory_space<hbm>>
      %dma_start3A_85 = tpu.memref_slice %arg5[%rem3A_54] : memref<2x!tpu.dma_semaphore, #tpu.memory_space<semaphore_mem>> -> memref<1x!tpu.dma_semaphore, #tpu.memory_space<semaphore_mem>>
      %dma_start3A_86 = tpu.memref_squeeze %dma_start3A_85 : memref<1x!tpu.dma_semaphore, #tpu.memory_space<semaphore_mem>> -> memref<!tpu.dma_semaphore, #tpu.memory_space<semaphore_mem>>
      %dma_start3A_87 = arith.constant 0 : i32
      %dma_start3A_88 = arith.constant 0 : i32
      %dma_start3A_89 = tpu.memref_slice %arg4[%rem3A_54, %dma_start3A_87, %dma_start3A_88] : memref<2x8x4096xf32, #tpu.memory_space<vmem>> -> memref<1x8x4096xf32, #tpu.memory_space<vmem>>
      %dma_start3A_90 = tpu.memref_squeeze %dma_start3A_89 : memref<1x8x4096xf32, #tpu.memory_space<vmem>> -> memref<8x4096xf32, #tpu.memory_space<vmem>>
      %dma_start3A_91 = tpu.memref_slice %arg2[%add3A_75, %mul3A_2, %mul3A_79] : memref<9x256x8192xf32, #tpu.memory_space<hbm>> -> memref<1x8x4096xf32, #tpu.memory_space<hbm>>
      %dma_start3A_92 = tpu.memref_squeeze %dma_start3A_91 : memref<1x8x4096xf32, #tpu.memory_space<hbm>> -> memref<8x4096xf32, #tpu.memory_space<hbm>>
      tpu.enqueue_dma source(%dma_start3A_92 : memref<8x4096xf32, #tpu.memory_space<hbm>>) target(%dma_start3A_90 : memref<8x4096xf32, #tpu.memory_space<vmem>>) target_semaphore(%dma_start3A_86 : memref<!tpu.dma_semaphore, #tpu.memory_space<semaphore_mem>>)
      %jit3A_93 = arith.constant 2 : i32
      %div3A_94 = arith.divsi %scan3A_52, %jit3A_93 : i32
      %sign3A_95 = arith.constant 0 : i32
      %sign3A_96 = arith.cmpi sgt, %scan3A_52, %sign3A_95 : i32
      %sign3A_97 = arith.extui %sign3A_96 : i1 to i32
      %sign3A_98 = arith.constant 0 : i32
      %sign3A_99 = arith.cmpi slt, %scan3A_52, %sign3A_98 : i32
      %sign3A_100 = arith.extui %sign3A_99 : i1 to i32
      %sign3A_101 = arith.subi %sign3A_97, %sign3A_100 : i32
      %sign3A_102 = arith.constant 0 : i32
      %sign3A_103 = arith.cmpi sgt, %jit3A_93, %sign3A_102 : i32
      %sign3A_104 = arith.extui %sign3A_103 : i1 to i32
      %sign3A_105 = arith.constant 0 : i32
      %sign3A_106 = arith.cmpi slt, %jit3A_93, %sign3A_105 : i32
      %sign3A_107 = arith.extui %sign3A_106 : i1 to i32
      %sign3A_108 = arith.subi %sign3A_104, %sign3A_107 : i32
      %ne3A_109 = arith.cmpi ne, %sign3A_101, %sign3A_108 : i32
      %rem3A_110 = arith.remsi %scan3A_52, %jit3A_93 : i32
      %ne3A_111 = arith.constant 0 : i32
      %ne3A_112 = arith.cmpi ne, %rem3A_110, %ne3A_111 : i32
      %and3A_113 = arith.andi %ne3A_109, %ne3A_112 : i1
      %sub3A_114 = arith.constant 1 : i32
      %sub3A_115 = arith.subi %div3A_94, %sub3A_114 : i32
      %select_n3A_116 = arith.select %and3A_113, %sub3A_115, %div3A_94 : i32
      %add3A_117 = arith.constant 3 : i32
      %add3A_118 = arith.addi %add3A_117, %select_n3A_116 : i32
      %rem3A_119 = arith.constant 2 : i32
      %rem3A_120 = arith.remsi %scan3A_52, %rem3A_119 : i32
      %mul3A_121 = arith.constant 4096 : i32
      %mul3A_122 = arith.muli %rem3A_120, %mul3A_121 : i32
      %dma_wait3A_123 = arith.constant 0 : i32
      %dma_wait3A_124 = arith.constant 0 : i32
      %dma_wait3A_125 = tpu.memref_slice %arg4[%rem3A_54, %dma_wait3A_123, %dma_wait3A_124] : memref<2x8x4096xf32, #tpu.memory_space<vmem>> -> memref<1x8x4096xf32, #tpu.memory_space<vmem>>
      %dma_wait3A_126 = tpu.memref_squeeze %dma_wait3A_125 : memref<1x8x4096xf32, #tpu.memory_space<vmem>> -> memref<8x4096xf32, #tpu.memory_space<vmem>>
      %dma_wait3A_127 = tpu.memref_slice %arg2[%add3A_118, %mul3A_2, %mul3A_122] : memref<9x256x8192xf32, #tpu.memory_space<hbm>> -> memref<1x8x4096xf32, #tpu.memory_space<hbm>>
      %dma_wait3A_128 = tpu.memref_squeeze %dma_wait3A_127 : memref<1x8x4096xf32, #tpu.memory_space<hbm>> -> memref<8x4096xf32, #tpu.memory_space<hbm>>
      %dma_wait3A_129 = tpu.memref_slice %arg5[%rem3A_54] : memref<2x!tpu.dma_semaphore, #tpu.memory_space<semaphore_mem>> -> memref<1x!tpu.dma_semaphore, #tpu.memory_space<semaphore_mem>>
      %dma_wait3A_130 = tpu.memref_squeeze %dma_wait3A_129 : memref<1x!tpu.dma_semaphore, #tpu.memory_space<semaphore_mem>> -> memref<!tpu.dma_semaphore, #tpu.memory_space<semaphore_mem>>
      %dma_wait3A_131 = arith.constant 0 : i32
      %dma_wait3A_132 = arith.constant 0 : i32
      %dma_wait3A_133 = tpu.memref_slice %arg4[%rem3A_54, %dma_wait3A_131, %dma_wait3A_132] : memref<2x8x4096xf32, #tpu.memory_space<vmem>> -> memref<1x8x4096xf32, #tpu.memory_space<vmem>>
      %dma_wait3A_134 = tpu.memref_squeeze %dma_wait3A_133 : memref<1x8x4096xf32, #tpu.memory_space<vmem>> -> memref<8x4096xf32, #tpu.memory_space<vmem>>
      %dma_wait3A_135 = tpu.memref_slice %arg2[%add3A_118, %mul3A_2, %mul3A_122] : memref<9x256x8192xf32, #tpu.memory_space<hbm>> -> memref<1x8x4096xf32, #tpu.memory_space<hbm>>
      %dma_wait3A_136 = tpu.memref_squeeze %dma_wait3A_135 : memref<1x8x4096xf32, #tpu.memory_space<hbm>> -> memref<8x4096xf32, #tpu.memory_space<hbm>>
      tpu.wait_dma2 semaphore(%dma_wait3A_130 : memref<!tpu.dma_semaphore, #tpu.memory_space<semaphore_mem>>) src(%dma_wait3A_136 : memref<8x4096xf32, #tpu.memory_space<hbm>>) dst(%dma_wait3A_134 : memref<8x4096xf32, #tpu.memory_space<vmem>>)
      %jit3A_137 = arith.constant 2 : i32
      %div3A_138 = arith.divsi %scan3A_52, %jit3A_137 : i32
      %sign3A_139 = arith.constant 0 : i32
      %sign3A_140 = arith.cmpi sgt, %scan3A_52, %sign3A_139 : i32
      %sign3A_141 = arith.extui %sign3A_140 : i1 to i32
      %sign3A_142 = arith.constant 0 : i32
      %sign3A_143 = arith.cmpi slt, %scan3A_52, %sign3A_142 : i32
      %sign3A_144 = arith.extui %sign3A_143 : i1 to i32
      %sign3A_145 = arith.subi %sign3A_141, %sign3A_144 : i32
      %sign3A_146 = arith.constant 0 : i32
      %sign3A_147 = arith.cmpi sgt, %jit3A_137, %sign3A_146 : i32
      %sign3A_148 = arith.extui %sign3A_147 : i1 to i32
      %sign3A_149 = arith.constant 0 : i32
      %sign3A_150 = arith.cmpi slt, %jit3A_137, %sign3A_149 : i32
      %sign3A_151 = arith.extui %sign3A_150 : i1 to i32
      %sign3A_152 = arith.subi %sign3A_148, %sign3A_151 : i32
      %ne3A_153 = arith.cmpi ne, %sign3A_145, %sign3A_152 : i32
      %rem3A_154 = arith.remsi %scan3A_52, %jit3A_137 : i32
      %ne3A_155 = arith.constant 0 : i32
      %ne3A_156 = arith.cmpi ne, %rem3A_154, %ne3A_155 : i32
      %and3A_157 = arith.andi %ne3A_153, %ne3A_156 : i1
      %sub3A_158 = arith.constant 1 : i32
      %sub3A_159 = arith.subi %div3A_138, %sub3A_158 : i32
      %select_n3A_160 = arith.select %and3A_157, %sub3A_159, %div3A_138 : i32
      %rem3A_161 = arith.constant 2 : i32
      %rem3A_162 = arith.remsi %scan3A_52, %rem3A_161 : i32
      %mul3A_163 = arith.constant 4096 : i32
      %mul3A_164 = arith.muli %rem3A_162, %mul3A_163 : i32
      %dma_start3A_165 = arith.constant 0 : i32
      %dma_start3A_166 = arith.constant 0 : i32
      %dma_start3A_167 = tpu.memref_slice %arg4[%rem3A_54, %dma_start3A_165, %dma_start3A_166] : memref<2x8x4096xf32, #tpu.memory_space<vmem>> -> memref<1x8x4096xf32, #tpu.memory_space<vmem>>
      %dma_start3A_168 = tpu.memref_squeeze %dma_start3A_167 : memref<1x8x4096xf32, #tpu.memory_space<vmem>> -> memref<8x4096xf32, #tpu.memory_space<vmem>>
      %dma_start3A_169 = tpu.memref_slice %arg3[%select_n3A_160, %mul3A_2, %mul3A_164] : memref<6x256x8192xf32, #tpu.memory_space<hbm>> -> memref<1x8x4096xf32, #tpu.memory_space<hbm>>
      %dma_start3A_170 = tpu.memref_squeeze %dma_start3A_169 : memref<1x8x4096xf32, #tpu.memory_space<hbm>> -> memref<8x4096xf32, #tpu.memory_space<hbm>>
      %dma_start3A_171 = tpu.memref_slice %arg6[%rem3A_54] : memref<2x!tpu.dma_semaphore, #tpu.memory_space<semaphore_mem>> -> memref<1x!tpu.dma_semaphore, #tpu.memory_space<semaphore_mem>>
      %dma_start3A_172 = tpu.memref_squeeze %dma_start3A_171 : memref<1x!tpu.dma_semaphore, #tpu.memory_space<semaphore_mem>> -> memref<!tpu.dma_semaphore, #tpu.memory_space<semaphore_mem>>
      %dma_start3A_173 = tpu.memref_slice %arg3[%select_n3A_160, %mul3A_2, %mul3A_164] : memref<6x256x8192xf32, #tpu.memory_space<hbm>> -> memref<1x8x4096xf32, #tpu.memory_space<hbm>>
      %dma_start3A_174 = tpu.memref_squeeze %dma_start3A_173 : memref<1x8x4096xf32, #tpu.memory_space<hbm>> -> memref<8x4096xf32, #tpu.memory_space<hbm>>
      %dma_start3A_175 = arith.constant 0 : i32
      %dma_start3A_176 = arith.constant 0 : i32
      %dma_start3A_177 = tpu.memref_slice %arg4[%rem3A_54, %dma_start3A_175, %dma_start3A_176] : memref<2x8x4096xf32, #tpu.memory_space<vmem>> -> memref<1x8x4096xf32, #tpu.memory_space<vmem>>
      %dma_start3A_178 = tpu.memref_squeeze %dma_start3A_177 : memref<1x8x4096xf32, #tpu.memory_space<vmem>> -> memref<8x4096xf32, #tpu.memory_space<vmem>>
      tpu.enqueue_dma source(%dma_start3A_178 : memref<8x4096xf32, #tpu.memory_space<vmem>>) target(%dma_start3A_174 : memref<8x4096xf32, #tpu.memory_space<hbm>>) target_semaphore(%dma_start3A_172 : memref<!tpu.dma_semaphore, #tpu.memory_space<semaphore_mem>>)
    }
    %scan3A_7 = arith.constant 12 : i32
    %rem3A = arith.constant 10 : i32
    %rem3A_8 = arith.constant 2 : i32
    %rem3A_9 = arith.remsi %rem3A, %rem3A_8 : i32
    %rem3A_10 = arith.constant 10 : i32
    %rem3A_11 = arith.constant 2 : i32
    %rem3A_12 = arith.remsi %rem3A_10, %rem3A_11 : i32
    %mul3A_13 = arith.constant 4096 : i32
    %mul3A_14 = arith.muli %rem3A_12, %mul3A_13 : i32
    %dma_wait3A = arith.constant 5 : i32
    %dma_wait3A_15 = arith.constant 0 : i32
    %dma_wait3A_16 = arith.constant 0 : i32
    %dma_wait3A_17 = tpu.memref_slice %arg4[%rem3A_9, %dma_wait3A_15, %dma_wait3A_16] : memref<2x8x4096xf32, #tpu.memory_space<vmem>> -> memref<1x8x4096xf32, #tpu.memory_space<vmem>>
    %dma_wait3A_18 = tpu.memref_squeeze %dma_wait3A_17 : memref<1x8x4096xf32, #tpu.memory_space<vmem>> -> memref<8x4096xf32, #tpu.memory_space<vmem>>
    %dma_wait3A_19 = tpu.memref_slice %arg3[%dma_wait3A, %mul3A_2, %mul3A_14] : memref<6x256x8192xf32, #tpu.memory_space<hbm>> -> memref<1x8x4096xf32, #tpu.memory_space<hbm>>
    %dma_wait3A_20 = tpu.memref_squeeze %dma_wait3A_19 : memref<1x8x4096xf32, #tpu.memory_space<hbm>> -> memref<8x4096xf32, #tpu.memory_space<hbm>>
    %dma_wait3A_21 = tpu.memref_slice %arg6[%rem3A_9] : memref<2x!tpu.dma_semaphore, #tpu.memory_space<semaphore_mem>> -> memref<1x!tpu.dma_semaphore, #tpu.memory_space<semaphore_mem>>
    %dma_wait3A_22 = tpu.memref_squeeze %dma_wait3A_21 : memref<1x!tpu.dma_semaphore, #tpu.memory_space<semaphore_mem>> -> memref<!tpu.dma_semaphore, #tpu.memory_space<semaphore_mem>>
    %dma_wait3A_23 = tpu.memref_slice %arg3[%dma_wait3A, %mul3A_2, %mul3A_14] : memref<6x256x8192xf32, #tpu.memory_space<hbm>> -> memref<1x8x4096xf32, #tpu.memory_space<hbm>>
    %dma_wait3A_24 = tpu.memref_squeeze %dma_wait3A_23 : memref<1x8x4096xf32, #tpu.memory_space<hbm>> -> memref<8x4096xf32, #tpu.memory_space<hbm>>
    %dma_wait3A_25 = arith.constant 0 : i32
    %dma_wait3A_26 = arith.constant 0 : i32
    %dma_wait3A_27 = tpu.memref_slice %arg4[%rem3A_9, %dma_wait3A_25, %dma_wait3A_26] : memref<2x8x4096xf32, #tpu.memory_space<vmem>> -> memref<1x8x4096xf32, #tpu.memory_space<vmem>>
    %dma_wait3A_28 = tpu.memref_squeeze %dma_wait3A_27 : memref<1x8x4096xf32, #tpu.memory_space<vmem>> -> memref<8x4096xf32, #tpu.memory_space<vmem>>
    tpu.wait_dma2 semaphore(%dma_wait3A_22 : memref<!tpu.dma_semaphore, #tpu.memory_space<semaphore_mem>>) src(%dma_wait3A_28 : memref<8x4096xf32, #tpu.memory_space<vmem>>) dst(%dma_wait3A_24 : memref<8x4096xf32, #tpu.memory_space<hbm>>)
    %rem3A_29 = arith.constant 11 : i32
    %rem3A_30 = arith.constant 2 : i32
    %rem3A_31 = arith.remsi %rem3A_29, %rem3A_30 : i32
    %rem3A_32 = arith.constant 11 : i32
    %rem3A_33 = arith.constant 2 : i32
    %rem3A_34 = arith.remsi %rem3A_32, %rem3A_33 : i32
    %mul3A_35 = arith.constant 4096 : i32
    %mul3A_36 = arith.muli %rem3A_34, %mul3A_35 : i32
    %dma_wait3A_37 = arith.constant 5 : i32
    %dma_wait3A_38 = arith.constant 0 : i32
    %dma_wait3A_39 = arith.constant 0 : i32
    %dma_wait3A_40 = tpu.memref_slice %arg4[%rem3A_31, %dma_wait3A_38, %dma_wait3A_39] : memref<2x8x4096xf32, #tpu.memory_space<vmem>> -> memref<1x8x4096xf32, #tpu.memory_space<vmem>>
    %dma_wait3A_41 = tpu.memref_squeeze %dma_wait3A_40 : memref<1x8x4096xf32, #tpu.memory_space<vmem>> -> memref<8x4096xf32, #tpu.memory_space<vmem>>
    %dma_wait3A_42 = tpu.memref_slice %arg3[%dma_wait3A_37, %mul3A_2, %mul3A_36] : memref<6x256x8192xf32, #tpu.memory_space<hbm>> -> memref<1x8x4096xf32, #tpu.memory_space<hbm>>
    %dma_wait3A_43 = tpu.memref_squeeze %dma_wait3A_42 : memref<1x8x4096xf32, #tpu.memory_space<hbm>> -> memref<8x4096xf32, #tpu.memory_space<hbm>>
    %dma_wait3A_44 = tpu.memref_slice %arg6[%rem3A_31] : memref<2x!tpu.dma_semaphore, #tpu.memory_space<semaphore_mem>> -> memref<1x!tpu.dma_semaphore, #tpu.memory_space<semaphore_mem>>
    %dma_wait3A_45 = tpu.memref_squeeze %dma_wait3A_44 : memref<1x!tpu.dma_semaphore, #tpu.memory_space<semaphore_mem>> -> memref<!tpu.dma_semaphore, #tpu.memory_space<semaphore_mem>>
    %dma_wait3A_46 = tpu.memref_slice %arg3[%dma_wait3A_37, %mul3A_2, %mul3A_36] : memref<6x256x8192xf32, #tpu.memory_space<hbm>> -> memref<1x8x4096xf32, #tpu.memory_space<hbm>>
    %dma_wait3A_47 = tpu.memref_squeeze %dma_wait3A_46 : memref<1x8x4096xf32, #tpu.memory_space<hbm>> -> memref<8x4096xf32, #tpu.memory_space<hbm>>
    %dma_wait3A_48 = arith.constant 0 : i32
    %dma_wait3A_49 = arith.constant 0 : i32
    %dma_wait3A_50 = tpu.memref_slice %arg4[%rem3A_31, %dma_wait3A_48, %dma_wait3A_49] : memref<2x8x4096xf32, #tpu.memory_space<vmem>> -> memref<1x8x4096xf32, #tpu.memory_space<vmem>>
    %dma_wait3A_51 = tpu.memref_squeeze %dma_wait3A_50 : memref<1x8x4096xf32, #tpu.memory_space<vmem>> -> memref<8x4096xf32, #tpu.memory_space<vmem>>
    tpu.wait_dma2 semaphore(%dma_wait3A_45 : memref<!tpu.dma_semaphore, #tpu.memory_space<semaphore_mem>>) src(%dma_wait3A_51 : memref<8x4096xf32, #tpu.memory_space<vmem>>) dst(%dma_wait3A_47 : memref<8x4096xf32, #tpu.memory_space<hbm>>)
    return
  }
}

module attributes {stable_mosaic.version = 14 : i64} {
  func.func @_rot_plane_kernel(%arg0: i32, %arg1: memref<32x9xf32, #tpu.memory_space<vmem>>, %arg2: memref<3x32x8192xf32, #tpu.memory_space<vmem>>, %arg3: memref<3x32x8192xf32, #tpu.memory_space<vmem>>) attributes {dimension_semantics = [#tpu.dimension_semantics<arbitrary>], iteration_bounds = array<i64: 8>, scalar_prefetch = 0 : i64, scratch_operands = 0 : i64, tpu.core_type = #tpu.core_type<tc>, window_params = [{transform_indices = @transform_0, window_bounds = array<i64: 32, 9>}, {transform_indices = @transform_1, window_bounds = array<i64: 3, 32, 8192>}, {transform_indices = @transform_2, window_bounds = array<i64: 3, 32, 8192>}]} {
    %get3A = arith.constant 0 : index
    %get3A_0 = arith.constant 0 : index
    %get3A_1 = vector.load %arg1[%get3A, %get3A_0] : memref<32x9xf32, #tpu.memory_space<vmem>>, vector<32x9xf32>
    %get3A_2 = arith.constant 0 : index
    %get3A_3 = arith.constant 0 : index
    %get3A_4 = arith.constant 0 : index
    %get3A_5 = vector.load %arg2[%get3A_2, %get3A_3, %get3A_4] : memref<3x32x8192xf32, #tpu.memory_space<vmem>>, vector<1x32x8192xf32>
    %get3A_6 = vector.shape_cast %get3A_5 : vector<1x32x8192xf32> to vector<32x8192xf32>
    %slice3A = vector.extract_strided_slice %get3A_1 {offsets = [0, 0], sizes = [32, 1], strides = [1, 1]} : vector<32x9xf32> to vector<32x1xf32>
    %mul3A = vector.broadcast %slice3A : vector<32x1xf32> to vector<32x8192xf32>
    %mul3A_7 = arith.mulf %get3A_6, %mul3A : vector<32x8192xf32>
    %get3A_8 = arith.constant 1 : index
    %get3A_9 = arith.constant 0 : index
    %get3A_10 = arith.constant 0 : index
    %get3A_11 = vector.load %arg2[%get3A_8, %get3A_9, %get3A_10] : memref<3x32x8192xf32, #tpu.memory_space<vmem>>, vector<1x32x8192xf32>
    %get3A_12 = vector.shape_cast %get3A_11 : vector<1x32x8192xf32> to vector<32x8192xf32>
    %slice3A_13 = vector.extract_strided_slice %get3A_1 {offsets = [0, 1], sizes = [32, 1], strides = [1, 1]} : vector<32x9xf32> to vector<32x1xf32>
    %mul3A_14 = vector.broadcast %slice3A_13 : vector<32x1xf32> to vector<32x8192xf32>
    %mul3A_15 = arith.mulf %get3A_12, %mul3A_14 : vector<32x8192xf32>
    %add3A = arith.addf %mul3A_7, %mul3A_15 : vector<32x8192xf32>
    %get3A_16 = arith.constant 2 : index
    %get3A_17 = arith.constant 0 : index
    %get3A_18 = arith.constant 0 : index
    %get3A_19 = vector.load %arg2[%get3A_16, %get3A_17, %get3A_18] : memref<3x32x8192xf32, #tpu.memory_space<vmem>>, vector<1x32x8192xf32>
    %get3A_20 = vector.shape_cast %get3A_19 : vector<1x32x8192xf32> to vector<32x8192xf32>
    %slice3A_21 = vector.extract_strided_slice %get3A_1 {offsets = [0, 2], sizes = [32, 1], strides = [1, 1]} : vector<32x9xf32> to vector<32x1xf32>
    %mul3A_22 = vector.broadcast %slice3A_21 : vector<32x1xf32> to vector<32x8192xf32>
    %mul3A_23 = arith.mulf %get3A_20, %mul3A_22 : vector<32x8192xf32>
    %add3A_24 = arith.addf %add3A, %mul3A_23 : vector<32x8192xf32>
    %swap3A = arith.constant 0 : index
    %swap3A_25 = arith.constant 0 : index
    %swap3A_26 = arith.constant 0 : index
    %swap3A_27 = vector.load %arg3[%swap3A, %swap3A_25, %swap3A_26] : memref<3x32x8192xf32, #tpu.memory_space<vmem>>, vector<1x32x8192xf32>
    %swap3A_28 = vector.shape_cast %swap3A_27 : vector<1x32x8192xf32> to vector<32x8192xf32>
    %swap3A_29 = vector.shape_cast %add3A_24 : vector<32x8192xf32> to vector<1x32x8192xf32>
    tpu.vector_store %arg3[%swap3A, %swap3A_25, %swap3A_26], %swap3A_29 {strides = array<i32>} : memref<3x32x8192xf32, #tpu.memory_space<vmem>>, vector<1x32x8192xf32>,
    %get3A_30 = arith.constant 0 : index
    %get3A_31 = arith.constant 0 : index
    %get3A_32 = arith.constant 0 : index
    %get3A_33 = vector.load %arg2[%get3A_30, %get3A_31, %get3A_32] : memref<3x32x8192xf32, #tpu.memory_space<vmem>>, vector<1x32x8192xf32>
    %get3A_34 = vector.shape_cast %get3A_33 : vector<1x32x8192xf32> to vector<32x8192xf32>
    %slice3A_35 = vector.extract_strided_slice %get3A_1 {offsets = [0, 3], sizes = [32, 1], strides = [1, 1]} : vector<32x9xf32> to vector<32x1xf32>
    %mul3A_36 = vector.broadcast %slice3A_35 : vector<32x1xf32> to vector<32x8192xf32>
    %mul3A_37 = arith.mulf %get3A_34, %mul3A_36 : vector<32x8192xf32>
    %get3A_38 = arith.constant 1 : index
    %get3A_39 = arith.constant 0 : index
    %get3A_40 = arith.constant 0 : index
    %get3A_41 = vector.load %arg2[%get3A_38, %get3A_39, %get3A_40] : memref<3x32x8192xf32, #tpu.memory_space<vmem>>, vector<1x32x8192xf32>
    %get3A_42 = vector.shape_cast %get3A_41 : vector<1x32x8192xf32> to vector<32x8192xf32>
    %slice3A_43 = vector.extract_strided_slice %get3A_1 {offsets = [0, 4], sizes = [32, 1], strides = [1, 1]} : vector<32x9xf32> to vector<32x1xf32>
    %mul3A_44 = vector.broadcast %slice3A_43 : vector<32x1xf32> to vector<32x8192xf32>
    %mul3A_45 = arith.mulf %get3A_42, %mul3A_44 : vector<32x8192xf32>
    %add3A_46 = arith.addf %mul3A_37, %mul3A_45 : vector<32x8192xf32>
    %get3A_47 = arith.constant 2 : index
    %get3A_48 = arith.constant 0 : index
    %get3A_49 = arith.constant 0 : index
    %get3A_50 = vector.load %arg2[%get3A_47, %get3A_48, %get3A_49] : memref<3x32x8192xf32, #tpu.memory_space<vmem>>, vector<1x32x8192xf32>
    %get3A_51 = vector.shape_cast %get3A_50 : vector<1x32x8192xf32> to vector<32x8192xf32>
    %slice3A_52 = vector.extract_strided_slice %get3A_1 {offsets = [0, 5], sizes = [32, 1], strides = [1, 1]} : vector<32x9xf32> to vector<32x1xf32>
    %mul3A_53 = vector.broadcast %slice3A_52 : vector<32x1xf32> to vector<32x8192xf32>
    %mul3A_54 = arith.mulf %get3A_51, %mul3A_53 : vector<32x8192xf32>
    %add3A_55 = arith.addf %add3A_46, %mul3A_54 : vector<32x8192xf32>
    %swap3A_56 = arith.constant 1 : index
    %swap3A_57 = arith.constant 0 : index
    %swap3A_58 = arith.constant 0 : index
    %swap3A_59 = vector.load %arg3[%swap3A_56, %swap3A_57, %swap3A_58] : memref<3x32x8192xf32, #tpu.memory_space<vmem>>, vector<1x32x8192xf32>
    %swap3A_60 = vector.shape_cast %swap3A_59 : vector<1x32x8192xf32> to vector<32x8192xf32>
    %swap3A_61 = vector.shape_cast %add3A_55 : vector<32x8192xf32> to vector<1x32x8192xf32>
    tpu.vector_store %arg3[%swap3A_56, %swap3A_57, %swap3A_58], %swap3A_61 {strides = array<i32>} : memref<3x32x8192xf32, #tpu.memory_space<vmem>>, vector<1x32x8192xf32>,
    %get3A_62 = arith.constant 0 : index
    %get3A_63 = arith.constant 0 : index
    %get3A_64 = arith.constant 0 : index
    %get3A_65 = vector.load %arg2[%get3A_62, %get3A_63, %get3A_64] : memref<3x32x8192xf32, #tpu.memory_space<vmem>>, vector<1x32x8192xf32>
    %get3A_66 = vector.shape_cast %get3A_65 : vector<1x32x8192xf32> to vector<32x8192xf32>
    %slice3A_67 = vector.extract_strided_slice %get3A_1 {offsets = [0, 6], sizes = [32, 1], strides = [1, 1]} : vector<32x9xf32> to vector<32x1xf32>
    %mul3A_68 = vector.broadcast %slice3A_67 : vector<32x1xf32> to vector<32x8192xf32>
    %mul3A_69 = arith.mulf %get3A_66, %mul3A_68 : vector<32x8192xf32>
    %get3A_70 = arith.constant 1 : index
    %get3A_71 = arith.constant 0 : index
    %get3A_72 = arith.constant 0 : index
    %get3A_73 = vector.load %arg2[%get3A_70, %get3A_71, %get3A_72] : memref<3x32x8192xf32, #tpu.memory_space<vmem>>, vector<1x32x8192xf32>
    %get3A_74 = vector.shape_cast %get3A_73 : vector<1x32x8192xf32> to vector<32x8192xf32>
    %slice3A_75 = vector.extract_strided_slice %get3A_1 {offsets = [0, 7], sizes = [32, 1], strides = [1, 1]} : vector<32x9xf32> to vector<32x1xf32>
    %mul3A_76 = vector.broadcast %slice3A_75 : vector<32x1xf32> to vector<32x8192xf32>
    %mul3A_77 = arith.mulf %get3A_74, %mul3A_76 : vector<32x8192xf32>
    %add3A_78 = arith.addf %mul3A_69, %mul3A_77 : vector<32x8192xf32>
    %get3A_79 = arith.constant 2 : index
    %get3A_80 = arith.constant 0 : index
    %get3A_81 = arith.constant 0 : index
    %get3A_82 = vector.load %arg2[%get3A_79, %get3A_80, %get3A_81] : memref<3x32x8192xf32, #tpu.memory_space<vmem>>, vector<1x32x8192xf32>
    %get3A_83 = vector.shape_cast %get3A_82 : vector<1x32x8192xf32> to vector<32x8192xf32>
    %slice3A_84 = vector.extract_strided_slice %get3A_1 {offsets = [0, 8], sizes = [32, 1], strides = [1, 1]} : vector<32x9xf32> to vector<32x1xf32>
    %mul3A_85 = vector.broadcast %slice3A_84 : vector<32x1xf32> to vector<32x8192xf32>
    %mul3A_86 = arith.mulf %get3A_83, %mul3A_85 : vector<32x8192xf32>
    %add3A_87 = arith.addf %add3A_78, %mul3A_86 : vector<32x8192xf32>
    %swap3A_88 = arith.constant 2 : index
    %swap3A_89 = arith.constant 0 : index
    %swap3A_90 = arith.constant 0 : index
    %swap3A_91 = vector.load %arg3[%swap3A_88, %swap3A_89, %swap3A_90] : memref<3x32x8192xf32, #tpu.memory_space<vmem>>, vector<1x32x8192xf32>
    %swap3A_92 = vector.shape_cast %swap3A_91 : vector<1x32x8192xf32> to vector<32x8192xf32>
    %swap3A_93 = vector.shape_cast %add3A_87 : vector<32x8192xf32> to vector<1x32x8192xf32>
    tpu.vector_store %arg3[%swap3A_88, %swap3A_89, %swap3A_90], %swap3A_93 {strides = array<i32>} : memref<3x32x8192xf32, #tpu.memory_space<vmem>>, vector<1x32x8192xf32>,
    return
  }
  func.func @transform_0(%arg0: i32) -> (i32, i32) {
    %c0_i32 = arith.constant 0 : i32
    %c0_i32_0 = arith.constant 0 : i32
    return %arg0, %c0_i32 : i32, i32
  }
  func.func @transform_1(%arg0: i32) -> (i32, i32, i32) {
    %c0_i32 = arith.constant 0 : i32
    %c0_i32_0 = arith.constant 0 : i32
    %c0_i32_1 = arith.constant 0 : i32
    return %c0_i32, %arg0, %c0_i32_0 : i32, i32, i32
  }
  func.func @transform_2(%arg0: i32) -> (i32, i32, i32) {
    %c0_i32 = arith.constant 0 : i32
    %c0_i32_0 = arith.constant 0 : i32
    %c0_i32_1 = arith.constant 0 : i32
    return %c0_i32, %arg0, %c0_i32_0 : i32, i32, i32
  }
}

</mosaic_0001>

<sc_bundles>
// kernel: kernel.4.cloned.1.call-start
scs
__scs_entry_jumppad:
0x0: {  	(pc) =	sbr.rel $0x88, $3  }
0x1: {  	(tag) =	ssettag $0x0;
	lr =	simm.s32 $0x1  }
0x2: {  	[smem:$0x3F9F] =	sst lr;
	_ =	strace $0xD0000000  }
0x3: {  	_ = 	snop  }
0x4: {  	_ = 	snop  }
0x5: {  	_ = 	snop  }
0x6: {  	_ = 	snop  }
0x7: {  	_ = 	snop  }
__scs_overlays_trampoline_lowered:
0x8: {  	[smem:$0x3FAE] =	sst s0  }
0x9: {  	[smem:$0x3FAF] =	sst s1  }
0xa: {  	[smem:$0x3FB0] =	sst s2  }
0xb: {  	[smem:$0x3FB1] =	sst s3  }
0xc: {  	[smem:$0x3FB2] =	sst s4  }
0xd: {  	[smem:$0x3FB3] =	sst s5  }
0xe: {  	[smem:$0x3FB4] =	sst s6  }
0xf: {  	[smem:$0x3FB5] =	sst s7  }
0x10: {  	[smem:$0x3FB6] =	sst s8  }
0x11: {  	[smem:$0x3FB7] =	sst s9;
	s0 =	simm.s32 @!p0 $0x0  }
0x12: {  	s1 =	sld [smem:$0x3F9D];
	s0 =	simm.s32 @p0 $0x1  }
0x13: {  	[smem:$0x3FB8] =	sst s0;
	s0 =	simm.s32 @!p1 $0x0  }
0x14: {  	s2 =	sld [smem:$0x3F9C];
	s0 =	simm.s32 @p1 $0x1  }
0x15: {  	[smem:$0x3FB9] =	sst s0;
	s0 =	simm.s32 @!p2 $0x0  }
0x16: {  	s3 =	sld [smem:$0x3FDB];
	s0 =	simm.s32 @p2 $0x1  }
0x17: {  	s4 =	simm.s32 $0x1BF5;
	[smem:$0x3FBB] =	sst s0  }
0x18: {  	s0 =	sld [smem:$0x3F9E];
	_ =	swait.ge [sflag:s4], $0x0  }
0x19: {  	s7 =	sld [smem:$0x3F9F]  }
0x1a: {  	s8 =	sadd.s32 $0xFFFFE003, lr  }
0x1b: {  	s9 =	sadd.s32 $0xFFFFFEF7, lr;
	s5 =	simm.s32 $0xFFFFFFFF;
	p2 =	slt.u32 s8, $0xFFFFF086  }
0x1c: {  	p1 =	slt.u32 s9, $0xF7A;
	s5 =	simm.s32 @!p2 $0x0  }
0x1d: {  	s5 =	simm.s32 @p1 $0x1;
	p0 =	seq.s32 s7, s2  }
0x1e: {  	s7 =	smul.u32 @!p0 $0xF7A, s2;
	p2 =	seq.s32 @!p0 s5, $0x0  }
0x1f: {  	s9 =	smul.u32 $0xF7A, s1;
	s8 =	simm.s32 @!p0 $0x1BF5;
	p2 =	por !p2, p0  }
0x20: {  	[sflag:s8] =	ssyncset.s32 @!p0 $0xFFFFF086;
	s6 =	sadd.s32 @!p0 s3, s7;
	s7 =	simm.s32 @!p0 $0x108  }
0x21: {  	s3 =	sadd.s32 s3, s9;
	s6 =	sadd.s32 @!p0 $0x88, s6;
	s7 =	simm.s32 @p2 $0x1082  }
0x22: {  	[simem:s7], [sflag:s8] =	dma.local @!p0 [hbm:s6], $0xF7A  }
0x23: {  	s9 =	sor.u32 $0xD0000000, s2;
	s6 =	simm.s32 $0x108;
	_ =	swait.ge @!p0 [sflag:s8], $0x0  }
0x24: {  	s3 =	sadd.s32 $0x88, s3;
	s6 =	simm.s32 @!p1 $0x1082;
	[sflag:s4] =	ssyncset.s32 $0xFFFFF086  }
0x25: {  	[simem:s6], [sflag:s4] =	dma.local [hbm:s3], $0xF7A  }
0x26: {  	[smem:$0x3F9F] =	sst s1;
	(tag) =	ssettag s2;
	_ =	strace s9  }
0x27: {  	s1 =	sld [smem:$0x3FAF]  }
0x28: {  	s2 =	sld [smem:$0x3FB0]  }
0x29: {  	s4 =	sld [smem:$0x3FB2]  }
0x2a: {  	p0 =	seq.s32 s5, $0x0;
	s5 =	sld [smem:$0x3FB3]  }
0x2b: {  	s6 =	sld [smem:$0x3FB4]  }
0x2c: {  	s7 =	sld [smem:$0x3FB5]  }
0x2d: {  	s3 =	simm.s32 $0x108;
	s8 =	sld [smem:$0x3FB6]  }
0x2e: {  	s3 =	simm.s32 @!p0 $0x1082;
	s9 =	sld [smem:$0x3FB7]  }
0x2f: {  	lr =	sadd.s32 s0, s3;
	s0 =	sld [smem:$0x3FAE]  }
0x30: {  	s3 =	sld [smem:$0x3FB1]  }
0x31: {  	[smem:$0x3FBA] =	sst s10  }
0x32: {  	s10 =	sld [smem:$0x3FB8];
	_ =	sdelay $0x3  }
0x33: {  	p0 =	seq.s32 s10, $0x1;
	s10 =	sld [smem:$0x3FBA];
	_ =	sdelay $0x3  }
0x34: {  	[smem:$0x3FBA] =	sst s10  }
0x35: {  	s10 =	sld [smem:$0x3FB9];
	_ =	sdelay $0x3  }
0x36: {  	p1 =	seq.s32 s10, $0x1;
	s10 =	sld [smem:$0x3FBA];
	_ =	sdelay $0x3  }
0x37: {  	[smem:$0x3FBA] =	sst s10  }
0x38: {  	s10 =	sld [smem:$0x3FBB]  }
0x39: {  	_ = 	snop;
	(pc) =	sbr.ind lr, $3  }
0x3a: {  	_ = 	snop  }
0x3b: {  	_ = 	snop  }
0x3c: {  	p2 =	seq.s32 s10, $0x1;
	s10 =	sld [smem:$0x3FBA]  }
0x3d: {  	_ =	shalt  }
0x3e: {  	_ =	shalt  }
0x3f: {  	_ =	shalt  }
0x40: {  	_ =	shalt  }
0x41: {  	_ =	shalt  }
0x42: {  	_ =	shalt  }
0x43: {  	_ =	shalt  }
0x44: {  	_ =	shalt  }
0x45: {  	_ =	shalt  }
0x46: {  	_ =	shalt  }
0x47: {  	_ =	shalt  }
0x48: {  	_ =	shalt  }
0x49: {  	_ =	shalt  }
0x4a: {  	_ =	shalt  }
0x4b: {  	_ =	shalt  }
0x4c: {  	_ =	shalt  }
0x4d: {  	_ =	shalt  }
0x4e: {  	_ =	shalt  }
0x4f: {  	_ =	shalt  }
0x50: {  	_ =	shalt  }
0x51: {  	_ =	shalt  }
0x52: {  	_ =	shalt  }
0x53: {  	_ =	shalt  }
0x54: {  	_ =	shalt  }
0x55: {  	_ =	shalt  }
0x56: {  	_ =	shalt  }
0x57: {  	_ =	shalt  }
0x58: {  	_ =	shalt  }
0x59: {  	_ =	shalt  }
0x5a: {  	_ =	shalt  }
0x5b: {  	_ =	shalt  }
0x5c: {  	_ =	shalt  }
0x5d: {  	_ =	shalt  }
0x5e: {  	_ =	shalt  }
0x5f: {  	_ =	shalt  }
0x60: {  	_ =	shalt  }
0x61: {  	_ =	shalt  }
0x62: {  	_ =	shalt  }
0x63: {  	_ =	shalt  }
0x64: {  	_ =	shalt  }
0x65: {  	_ =	shalt  }
0x66: {  	_ =	shalt  }
0x67: {  	_ =	shalt  }
0x68: {  	_ =	shalt  }
0x69: {  	_ =	shalt  }
0x6a: {  	_ =	shalt  }
0x6b: {  	_ =	shalt  }
0x6c: {  	_ =	shalt  }
0x6d: {  	_ =	shalt  }
0x6e: {  	_ =	shalt  }
0x6f: {  	_ =	shalt  }
0x70: {  	_ =	shalt  }
0x71: {  	_ =	shalt  }
0x72: {  	_ =	shalt  }
0x73: {  	_ =	shalt  }
0x74: {  	_ =	shalt  }
0x75: {  	_ =	shalt  }
0x76: {  	_ =	shalt  }
0x77: {  	_ =	shalt  }
0x78: {  	_ =	shalt  }
0x79: {  	_ =	shalt  }
0x7a: {  	_ =	shalt  }
0x7b: {  	_ =	shalt  }
0x7c: {  	_ =	shalt  }
0x7d: {  	_ =	shalt  }
0x7e: {  	_ =	shalt  }
0x7f: {  	_ =	shalt  }
0x80: {  	_ =	shalt  }
0x81: {  	_ =	shalt  }
0x82: {  	_ =	shalt  }
0x83: {  	_ =	shalt  }
0x84: {  	_ =	shalt  }
0x85: {  	_ =	shalt  }
0x86: {  	_ =	shalt  }
0x87: {  	_ =	shalt  }
.Lfunc_end0:
.L_simem_size_0:
called_computation_lowered:
.L_overlay_start_0:
0x88: {  	s2 =	sld [smem:$0x3FD9]  }
0x89: {  	s3 =	sld [smem:$0x3FFE];
	_ =	sdelay $0x1  }
0x8a: {  	s1 =	srdreg.scid  }
0x8b: {  	s0 =	sand.u32 $0x1, s1  }
0x8c: {  	s17 =	sshll.u32 s0, $0xA;
	s2 =	sadd.s32 s3, s2  }
0x8d: {  	s2 =	sadd.s32 s2, s17  }
0x8e: {  	[smem:$0x3FC6] =	sst s2  }
0x8f: {  	_ = 	snop  }
0x90: {  	s2 =	sld [smem:$0x3FC9];
	(tm) =	ssettm $0x1  }
0x91: {  	s18 =	sld [smem:$0x3FFB];
	_ =	sdelay $0x3  }
0x92: {  	_ =	strace s18  }
0x93: {  	s3 =	sld [smem:$0x3FFC];
	_ =	sdelay $0x3  }
0x94: {  	_ =	strace s3  }
0x95: {  	s3 =	sld [smem:$0x3FFD];
	_ =	sdelay $0x3  }
0x96: {  	_ =	strace s3  }
0x97: {  	_ =	strace $0x8FFFFFFF  }
0x98: {  	s19 =	sld [smem:$0x3FDB];
	_ =	sdelay $0x1  }
0x99: {  	s4 =	simm.s32 $_scs_section_size  }
0x9a: {  	s5 =	simm.s32 $_size__tile_overlayer_lowered;
	s6 =	simm.s32 $_tile_overlayer_lowered  }
0x9b: {  	s22 =	simm.s32 $0x1BFF;
	s21 =	sshll.u32 s6, $0x1;
	s3 =	sadd.s32 s4, s19  }
0x9c: {  	s7 =	simm.s32 $0x0;
	s20 =	sshll.u32 s5, $0x1;
	s5 =	sadd.s32 s21, s3  }
0x9d: {  	[timem:s7], [sflag:s22] =	dma.local [hbm:s5], s20  }
0x9e: {  	_ =	swait.ge [sflag:s22], s20  }
0x9f: {  	s4 =	ssub.s32 $0x0, s20;
	[sflag:s22] =	ssyncset.done $0x0  }
0xa0: {  	[sflag:s22] =	ssyncadd.s32 s4;
	_ =	sdelay $0x1  }
0xa1: {  	s23 =	simm.s32 $0x1B8B  }
0xa2: {  	_ =	swait.ge [sflag:s23], $0x1  }
0xa3: {  	[sflag:s23] =	ssyncset.done $0x0  }
0xa4: {  	s25 =	simm.s32 $0x1B8E;
	s24 =	sld [smem:$0x3FFE];
	[sflag:s23] =	ssyncadd.s32 $0xFFFFFFFF  }
0xa5: {  	s26 =	simm.s32 $execute0_lowered;
	[smem:$0x3FD2] =	sst s25  }
0xa6: {  	s5 =	sshll.u32 s26, $0x1;
	_ =	strace $0x80000046;
	[dreg:$0x1] =	wrdreg $0xFFFFFFFF  }
0xa7: {  	s28 =	simm.s32 $_size_execute0_lowered;
	s3 =	sadd.s32 s3, s5;
	[dreg:$0x0] =	wrdreg $0x0  }
0xa8: {  	s5 =	sshll.u32 s28, $0x1;
	[dreg:$0x2] =	wrdreg s3  }
0xa9: {  	[dreg:$0x3] =	wrdreg s5  }
0xaa: {  	[dreg:$0x4] =	wrdreg $0xC0  }
0xab: {  	_ =	task [dreg:s7], $0x5FFFF  }
0xac: {  	[dreg:$0x1] =	wrdreg $0xFFFFFFFF  }
0xad: {  	[dreg:$0x0] =	wrdreg $0x60  }
0xae: {  	[dreg:$0x2] =	wrdreg s2  }
0xaf: {  	[dreg:$0x3] =	wrdreg s24  }
0xb0: {  	[dreg:$0x4] =	wrdreg $0x9  }
0xb1: {  	_ =	task.clear_ibuf [dreg:s7], $0x5FFFF;
	_ =	strace $0x90000046  }
0xb2: {  	s29 =	simm.s32 $0x9;
	_ =	strace $0x80000048  }
0xb3: {  	_ =	swait.ge [sflag:s29], $0x1  }
0xb4: {  	[sflag:s29] =	ssyncadd.s32 $0xFFFFFFFF  }
0xb5: {  	_ =	strace $0x90000048  }
0xb6: {  	_ =	sfence  }
0xb7: {  	s30 =	sld [smem:$0x0];
	_ =	sdelay $0x2  }
0xb8: {  	s31 =	sshll.u32 s1, $0xD;
	s1 =	sshrl.u32 s1, $0x2  }
0xb9: {  	s3 =	sand.u32 $0x4000, s31;
	s1 =	sadd.s32 s1, s30  }
0xba: {  	s0 =	sor.u32 s3, s0;
	s1 =	sshll.u32 s1, $0x11  }
0xbb: {  	s0 =	sor.u32 s1, s0  }
0xbc: {  	s0 =	sadd.s32 $0x8F2B, s0  }
0xbd: {  	[sflag:s0] =	ssyncadd.remote.s32 $0x1  }
0xbe: {  	_ =	sfence.sel $0xFFFF  }
0xbf: {  	[dreg:$0x0] =	wrdreg $0xFFFFFFFF;
	(pc) =	sbr.abs _section_cstart, $3  }
0xc0: {  	[dreg:$0x1] =	wrdreg $0xFFFFFFFF  }
0xc1: {  	_ =	task.clear_ibuf [dreg:s7], $0x2FFFF;
	_ =	strace $0x9FFFFFFF  }
0xc2: {  	(tm) =	ssettm $0x7FFFFFFF  }
0xc3: {  	_ =	shalt  }
tec
execute0_lowered:
.L_overlay_start_1:
0x0: {  	(tag) =	ssettag $0x1  }
0x1: {  	s0 =	srdreg.scid  }
0x2: {  	s2 =	stileid.u32;
	s1 =	sand.u32 $0x1, s0  }
0x3: {  	s3 =	sshll.u32 s2, $0xE;
	s4 =	sshll.u32 s1, $0xD  }
0x4: {  	s19 =	rddreg [dreg:$0x0];
	s21 =	sor.u32 s4, s3  }
0x5: {  	s24 =	rddreg [dreg:$0x1];
	s2 =	simm.s32 $0x0;
	s20 =	sor.u32 $0xC0000, s21  }
0x6: {  	[smem:$0x7FF] =	sst s2;
	s25 =	sadd.s32 s19, s20  }
0x7: {  	_ =	strace $0x80000047;
	[dreg:$0x3] =	wrdreg s25  }
0x8: {  	s3 =	simm.s32 $0x1;
	s26 =	rddreg [dreg:$0x3]  }
0x9: {  	[tilespmem:s2], [sflag:$0x1] =	stream.linear.gather [hbm4b:s26+s2], $0x8000, $0x38;
	[tilespmem:$0x10000] =	vst v63  }
0xa: {  	_ =	swait.ge [sflag:s3], $0x8000  }
0xb: {  	s31 =	sadd.s32 $0x600, s24;
	[sflag:s3] =	ssyncset.done $0x0  }
0xc: {  	s4 =	sadd.s32 s31, s21;
	s22 =	sor.u32 $0xC1000, s21;
	[sflag:s3] =	ssyncadd.s32 $0xFFFF8000  }
0xd: {  	[hbm4b:s4+s2] =	stream.linear.scatter [tilespmem:s2], [sflag:$0x3], $0x8000, $0x38;
	[tilespmem:$0x10000] =	vst v63  }
0xe: {  	s6 =	simm.s32 $0x8000;
	s7 =	simm.s32 $0x2;
	s5 =	sadd.s32 s19, s22  }
0xf: {  	[tilespmem:s6], [sflag:$0x2] =	stream.linear.gather [hbm4b:s5+s2], $0x8000, $0x38;
	[tilespmem:$0x10000] =	vst v63  }
0x10: {  	_ =	swait.ge [sflag:s7], $0x8000  }
0x11: {  	[sflag:s7] =	ssyncset.done $0x0  }
0x12: {  	s9 =	simm.s32 $0x3;
	s8 =	sadd.s32 $0x1000, s4;
	[sflag:s7] =	ssyncadd.s32 $0xFFFF8000  }
0x13: {  	[hbm4b:s8+s2] =	stream.linear.scatter [tilespmem:s6], [sflag:$0x4], $0x8000, $0x38;
	[tilespmem:$0x10000] =	vst v63  }
0x14: {  	_ =	swait.ge [sflag:s9], $0x8000  }
0x15: {  	s24 =	sor.u32 $0x100000, s21;
	[sflag:s9] =	ssyncset.done $0x0  }
0x16: {  	s10 =	sadd.s32 s19, s24;
	[sflag:s9] =	ssyncadd.s32 $0xFFFF8000  }
0x17: {  	[tilespmem:s2], [sflag:$0x1] =	stream.linear.gather [hbm4b:s10+s2], $0x8000, $0x38;
	[tilespmem:$0x10000] =	vst v63  }
0x18: {  	_ =	swait.ge [sflag:s3], $0x8000  }
0x19: {  	[sflag:s3] =	ssyncset.done $0x0  }
0x1a: {  	s11 =	simm.s32 $0x4;
	s12 =	sadd.s32 $0x40000, s4;
	[sflag:s3] =	ssyncadd.s32 $0xFFFF8000  }
0x1b: {  	[hbm4b:s12+s2] =	stream.linear.scatter [tilespmem:s2], [sflag:$0x3], $0x8000, $0x38;
	[tilespmem:$0x10000] =	vst v63  }
0x1c: {  	_ =	swait.ge [sflag:s11], $0x8000  }
0x1d: {  	s26 =	sor.u32 $0x101000, s21;
	[sflag:s11] =	ssyncset.done $0x0  }
0x1e: {  	s13 =	sadd.s32 s19, s26;
	[sflag:s11] =	ssyncadd.s32 $0xFFFF8000  }
0x1f: {  	[tilespmem:s6], [sflag:$0x2] =	stream.linear.gather [hbm4b:s13+s2], $0x8000, $0x38;
	[tilespmem:$0x10000] =	vst v63  }
0x20: {  	_ =	swait.ge [sflag:s7], $0x8000  }
0x21: {  	[sflag:s7] =	ssyncset.done $0x0  }
0x22: {  	s14 =	sadd.s32 $0x41000, s4;
	[sflag:s7] =	ssyncadd.s32 $0xFFFF8000  }
0x23: {  	[hbm4b:s14+s2] =	stream.linear.scatter [tilespmem:s6], [sflag:$0x4], $0x8000, $0x38;
	[tilespmem:$0x10000] =	vst v63  }
0x24: {  	_ =	swait.ge [sflag:s9], $0x8000  }
0x25: {  	s29 =	sor.u32 $0x140000, s21;
	[sflag:s9] =	ssyncset.done $0x0  }
0x26: {  	s15 =	sadd.s32 s19, s29;
	[sflag:s9] =	ssyncadd.s32 $0xFFFF8000  }
0x27: {  	[tilespmem:s2], [sflag:$0x1] =	stream.linear.gather [hbm4b:s15+s2], $0x8000, $0x38;
	[tilespmem:$0x10000] =	vst v63  }
0x28: {  	_ =	swait.ge [sflag:s3], $0x8000  }
0x29: {  	[sflag:s3] =	ssyncset.done $0x0  }
0x2a: {  	s16 =	sadd.s32 $0x80000, s4;
	[sflag:s3] =	ssyncadd.s32 $0xFFFF8000  }
0x2b: {  	[hbm4b:s16+s2] =	stream.linear.scatter [tilespmem:s2], [sflag:$0x3], $0x8000, $0x38;
	[tilespmem:$0x10000] =	vst v63  }
0x2c: {  	_ =	swait.ge [sflag:s11], $0x8000  }
0x2d: {  	s0 =	sor.u32 $0x141000, s21;
	[sflag:s11] =	ssyncset.done $0x0  }
0x2e: {  	s17 =	sadd.s32 s19, s0;
	[sflag:s11] =	ssyncadd.s32 $0xFFFF8000  }
0x2f: {  	[tilespmem:s6], [sflag:$0x2] =	stream.linear.gather [hbm4b:s17+s2], $0x8000, $0x38;
	[tilespmem:$0x10000] =	vst v63  }
0x30: {  	_ =	swait.ge [sflag:s7], $0x8000  }
0x31: {  	[sflag:s7] =	ssyncset.done $0x0  }
0x32: {  	s18 =	sadd.s32 $0x81000, s4;
	[sflag:s7] =	ssyncadd.s32 $0xFFFF8000  }
0x33: {  	[hbm4b:s18+s2] =	stream.linear.scatter [tilespmem:s6], [sflag:$0x4], $0x8000, $0x38;
	[tilespmem:$0x10000] =	vst v63  }
0x34: {  	_ =	swait.ge [sflag:s9], $0x8000  }
0x35: {  	s30 =	sadd.s32 s21, s19;
	[sflag:s9] =	ssyncset.done $0x0  }
0x36: {  	s19 =	sadd.s32 $0x180000, s30;
	[sflag:s9] =	ssyncadd.s32 $0xFFFF8000  }
0x37: {  	[tilespmem:s2], [sflag:$0x1] =	stream.linear.gather [hbm4b:s19+s2], $0x8000, $0x38;
	[tilespmem:$0x10000] =	vst v63  }
0x38: {  	_ =	swait.ge [sflag:s3], $0x8000  }
0x39: {  	[sflag:s3] =	ssyncset.done $0x0  }
0x3a: {  	s20 =	sadd.s32 s31, s20;
	[sflag:s3] =	ssyncadd.s32 $0xFFFF8000  }
0x3b: {  	[hbm4b:s20+s2] =	stream.linear.scatter [tilespmem:s2], [sflag:$0x3], $0x8000, $0x38;
	[tilespmem:$0x10000] =	vst v63  }
0x3c: {  	_ =	swait.ge [sflag:s11], $0x8000  }
0x3d: {  	[sflag:s11] =	ssyncset.done $0x0  }
0x3e: {  	s21 =	sadd.s32 $0x181000, s30;
	[sflag:s11] =	ssyncadd.s32 $0xFFFF8000  }
0x3f: {  	[tilespmem:s6], [sflag:$0x2] =	stream.linear.gather [hbm4b:s21+s2], $0x8000, $0x38;
	[tilespmem:$0x10000] =	vst v63  }
0x40: {  	_ =	swait.ge [sflag:s7], $0x8000  }
0x41: {  	[sflag:s7] =	ssyncset.done $0x0  }
0x42: {  	s22 =	sadd.s32 s31, s22;
	[sflag:s7] =	ssyncadd.s32 $0xFFFF8000  }
0x43: {  	[hbm4b:s22+s2] =	stream.linear.scatter [tilespmem:s6], [sflag:$0x4], $0x8000, $0x38;
	[tilespmem:$0x10000] =	vst v63  }
0x44: {  	_ =	swait.ge [sflag:s9], $0x8000  }
0x45: {  	[sflag:s9] =	ssyncset.done $0x0  }
0x46: {  	s23 =	sadd.s32 $0x1C0000, s30;
	[sflag:s9] =	ssyncadd.s32 $0xFFFF8000  }
0x47: {  	[tilespmem:s2], [sflag:$0x1] =	stream.linear.gather [hbm4b:s23+s2], $0x8000, $0x38;
	[tilespmem:$0x10000] =	vst v63  }
0x48: {  	_ =	swait.ge [sflag:s3], $0x8000  }
0x49: {  	[sflag:s3] =	ssyncset.done $0x0  }
0x4a: {  	s24 =	sadd.s32 s31, s24;
	[sflag:s3] =	ssyncadd.s32 $0xFFFF8000  }
0x4b: {  	[hbm4b:s24+s2] =	stream.linear.scatter [tilespmem:s2], [sflag:$0x3], $0x8000, $0x38;
	[tilespmem:$0x10000] =	vst v63  }
0x4c: {  	_ =	swait.ge [sflag:s11], $0x8000  }
0x4d: {  	[sflag:s11] =	ssyncset.done $0x0  }
0x4e: {  	s25 =	sadd.s32 $0x1C1000, s30;
	[sflag:s11] =	ssyncadd.s32 $0xFFFF8000  }
0x4f: {  	[tilespmem:s6], [sflag:$0x2] =	stream.linear.gather [hbm4b:s25+s2], $0x8000, $0x38;
	[tilespmem:$0x10000] =	vst v63  }
0x50: {  	_ =	swait.ge [sflag:s7], $0x8000  }
0x51: {  	[sflag:s7] =	ssyncset.done $0x0  }
0x52: {  	s26 =	sadd.s32 s31, s26;
	[sflag:s7] =	ssyncadd.s32 $0xFFFF8000  }
0x53: {  	[hbm4b:s26+s2] =	stream.linear.scatter [tilespmem:s6], [sflag:$0x4], $0x8000, $0x38;
	[tilespmem:$0x10000] =	vst v63  }
0x54: {  	_ =	swait.ge [sflag:s9], $0x8000  }
0x55: {  	[sflag:s9] =	ssyncset.done $0x0  }
0x56: {  	s28 =	sadd.s32 $0x200000, s30;
	[sflag:s9] =	ssyncadd.s32 $0xFFFF8000  }
0x57: {  	[tilespmem:s2], [sflag:$0x1] =	stream.linear.gather [hbm4b:s28+s2], $0x8000, $0x38;
	[tilespmem:$0x10000] =	vst v63  }
0x58: {  	_ =	swait.ge [sflag:s3], $0x8000  }
0x59: {  	[sflag:s3] =	ssyncset.done $0x0  }
0x5a: {  	s29 =	sadd.s32 s31, s29;
	[sflag:s3] =	ssyncadd.s32 $0xFFFF8000  }
0x5b: {  	[hbm4b:s29+s2] =	stream.linear.scatter [tilespmem:s2], [sflag:$0x3], $0x8000, $0x38;
	[tilespmem:$0x10000] =	vst v63  }
0x5c: {  	_ =	swait.ge [sflag:s11], $0x8000  }
0x5d: {  	s31 =	sadd.s32 s31, s0;
	s0 =	ssub.s32 $0x2, s1;
	[sflag:s11] =	ssyncset.done $0x0  }
0x5e: {  	s30 =	sadd.s32 $0x201000, s30;
	s1 =	sshrl.u32 s0, $0x1;
	[sflag:s11] =	ssyncadd.s32 $0xFFFF8000  }
0x5f: {  	[tilespmem:s6], [sflag:$0x2] =	stream.linear.gather [hbm4b:s30+s2], $0x8000, $0x38;
	[tilespmem:$0x10000] =	vst v63  }
0x60: {  	s0 =	ssub.s32 s0, s1;
	_ =	swait.ge [sflag:s7], $0x8000  }
0x61: {  	s0 =	smax.u32 s0, $0x1;
	[sflag:s7] =	ssyncset.done $0x0  }
0x62: {  	p0 =	sne.s32 s0, $0x1;
	[sflag:s7] =	ssyncadd.s32 $0xFFFF8000  }
0x63: {  	[hbm4b:s31+s2] =	stream.linear.scatter [tilespmem:s6], [sflag:$0x4], $0x8000, $0x38;
	[tilespmem:$0x10000] =	vst v63  }
.Ltmp0:
0x64: {  	_ =	swait.ge [sflag:s9], $0x8000;
	(pc) =	sbr.rel @!p0 .LBB2_2-.Ltmp0, $4  }
0x65: {  	[sflag:s9] =	ssyncset.done $0x0  }
0x66: {  	[sflag:s9] =	ssyncadd.s32 $0xFFFF8000  }
0x67: {  	_ =	swait.ge [sflag:s11], $0x8000  }
0x68: {  	s1 =	sadd.s32 $0xFFFFFFFF, s0;
	[sflag:s11] =	ssyncset.done $0x0  }
.LBB2_1:
0x69: {  	s0 =	rddreg [dreg:$0x3];
	[sflag:s11] =	ssyncadd.s32 $0xFFFF8000  }
0x6a: {  	[tilespmem:s2], [sflag:$0x1] =	stream.linear.gather [hbm4b:s0+s2], $0x8000, $0x38;
	[tilespmem:$0x10000] =	vst v63  }
0x6b: {  	_ =	swait.ge [sflag:s3], $0x8000  }
0x6c: {  	[sflag:s3] =	ssyncset.done $0x0  }
0x6d: {  	[sflag:s3] =	ssyncadd.s32 $0xFFFF8000  }
0x6e: {  	[hbm4b:s4+s2] =	stream.linear.scatter [tilespmem:s2], [sflag:$0x3], $0x8000, $0x38;
	[tilespmem:$0x10000] =	vst v63  }
0x6f: {  	_ = 	snop  }
0x70: {  	[tilespmem:s6], [sflag:$0x2] =	stream.linear.gather [hbm4b:s5+s2], $0x8000, $0x38;
	[tilespmem:$0x10000] =	vst v63  }
0x71: {  	_ =	swait.ge [sflag:s7], $0x8000  }
0x72: {  	[sflag:s7] =	ssyncset.done $0x0  }
0x73: {  	[sflag:s7] =	ssyncadd.s32 $0xFFFF8000  }
0x74: {  	[hbm4b:s8+s2] =	stream.linear.scatter [tilespmem:s6], [sflag:$0x4], $0x8000, $0x38;
	[tilespmem:$0x10000] =	vst v63  }
0x75: {  	_ =	swait.ge [sflag:s9], $0x8000  }
0x76: {  	[sflag:s9] =	ssyncset.done $0x0  }
0x77: {  	[sflag:s9] =	ssyncadd.s32 $0xFFFF8000  }
0x78: {  	[tilespmem:s2], [sflag:$0x1] =	stream.linear.gather [hbm4b:s10+s2], $0x8000, $0x38;
	[tilespmem:$0x10000] =	vst v63  }
0x79: {  	_ =	swait.ge [sflag:s3], $0x8000  }
0x7a: {  	[sflag:s3] =	ssyncset.done $0x0  }
0x7b: {  	[sflag:s3] =	ssyncadd.s32 $0xFFFF8000  }
0x7c: {  	[hbm4b:s12+s2] =	stream.linear.scatter [tilespmem:s2], [sflag:$0x3], $0x8000, $0x38;
	[tilespmem:$0x10000] =	vst v63  }
0x7d: {  	_ =	swait.ge [sflag:s11], $0x8000  }
0x7e: {  	[sflag:s11] =	ssyncset.done $0x0  }
0x7f: {  	[sflag:s11] =	ssyncadd.s32 $0xFFFF8000  }
0x80: {  	[tilespmem:s6], [sflag:$0x2] =	stream.linear.gather [hbm4b:s13+s2], $0x8000, $0x38;
	[tilespmem:$0x10000] =	vst v63  }
0x81: {  	_ =	swait.ge [sflag:s7], $0x8000  }
0x82: {  	[sflag:s7] =	ssyncset.done $0x0  }
0x83: {  	[sflag:s7] =	ssyncadd.s32 $0xFFFF8000  }
0x84: {  	[hbm4b:s14+s2] =	stream.linear.scatter [tilespmem:s6], [sflag:$0x4], $0x8000, $0x38;
	[tilespmem:$0x10000] =	vst v63  }
0x85: {  	_ =	swait.ge [sflag:s9], $0x8000  }
0x86: {  	[sflag:s9] =	ssyncset.done $0x0  }
0x87: {  	[sflag:s9] =	ssyncadd.s32 $0xFFFF8000  }
0x88: {  	[tilespmem:s2], [sflag:$0x1] =	stream.linear.gather [hbm4b:s15+s2], $0x8000, $0x38;
	[tilespmem:$0x10000] =	vst v63  }
0x89: {  	_ =	swait.ge [sflag:s3], $0x8000  }
0x8a: {  	[sflag:s3] =	ssyncset.done $0x0  }
0x8b: {  	[sflag:s3] =	ssyncadd.s32 $0xFFFF8000  }
0x8c: {  	[hbm4b:s16+s2] =	stream.linear.scatter [tilespmem:s2], [sflag:$0x3], $0x8000, $0x38;
	[tilespmem:$0x10000] =	vst v63  }
0x8d: {  	_ =	swait.ge [sflag:s11], $0x8000  }
0x8e: {  	[sflag:s11] =	ssyncset.done $0x0  }
0x8f: {  	[sflag:s11] =	ssyncadd.s32 $0xFFFF8000  }
0x90: {  	[tilespmem:s6], [sflag:$0x2] =	stream.linear.gather [hbm4b:s17+s2], $0x8000, $0x38;
	[tilespmem:$0x10000] =	vst v63  }
0x91: {  	_ =	swait.ge [sflag:s7], $0x8000  }
0x92: {  	[sflag:s7] =	ssyncset.done $0x0  }
0x93: {  	[sflag:s7] =	ssyncadd.s32 $0xFFFF8000  }
0x94: {  	[hbm4b:s18+s2] =	stream.linear.scatter [tilespmem:s6], [sflag:$0x4], $0x8000, $0x38;
	[tilespmem:$0x10000] =	vst v63  }
0x95: {  	_ =	swait.ge [sflag:s9], $0x8000  }
0x96: {  	[sflag:s9] =	ssyncset.done $0x0  }
0x97: {  	[sflag:s9] =	ssyncadd.s32 $0xFFFF8000  }
0x98: {  	[tilespmem:s2], [sflag:$0x1] =	stream.linear.gather [hbm4b:s19+s2], $0x8000, $0x38;
	[tilespmem:$0x10000] =	vst v63  }
0x99: {  	_ =	swait.ge [sflag:s3], $0x8000  }
0x9a: {  	[sflag:s3] =	ssyncset.done $0x0  }
0x9b: {  	[sflag:s3] =	ssyncadd.s32 $0xFFFF8000  }
0x9c: {  	[hbm4b:s20+s2] =	stream.linear.scatter [tilespmem:s2], [sflag:$0x3], $0x8000, $0x38;
	[tilespmem:$0x10000] =	vst v63  }
0x9d: {  	_ =	swait.ge [sflag:s11], $0x8000  }
0x9e: {  	[sflag:s11] =	ssyncset.done $0x0  }
0x9f: {  	[sflag:s11] =	ssyncadd.s32 $0xFFFF8000  }
0xa0: {  	[tilespmem:s6], [sflag:$0x2] =	stream.linear.gather [hbm4b:s21+s2], $0x8000, $0x38;
	[tilespmem:$0x10000] =	vst v63  }
0xa1: {  	_ =	swait.ge [sflag:s7], $0x8000  }
0xa2: {  	[sflag:s7] =	ssyncset.done $0x0  }
0xa3: {  	[sflag:s7] =	ssyncadd.s32 $0xFFFF8000  }
0xa4: {  	[hbm4b:s22+s2] =	stream.linear.scatter [tilespmem:s6], [sflag:$0x4], $0x8000, $0x38;
	[tilespmem:$0x10000] =	vst v63  }
0xa5: {  	_ =	swait.ge [sflag:s9], $0x8000  }
0xa6: {  	[sflag:s9] =	ssyncset.done $0x0  }
0xa7: {  	[sflag:s9] =	ssyncadd.s32 $0xFFFF8000  }
0xa8: {  	[tilespmem:s2], [sflag:$0x1] =	stream.linear.gather [hbm4b:s23+s2], $0x8000, $0x38;
	[tilespmem:$0x10000] =	vst v63  }
0xa9: {  	_ =	swait.ge [sflag:s3], $0x8000  }
0xaa: {  	[sflag:s3] =	ssyncset.done $0x0  }
0xab: {  	[sflag:s3] =	ssyncadd.s32 $0xFFFF8000  }
0xac: {  	[hbm4b:s24+s2] =	stream.linear.scatter [tilespmem:s2], [sflag:$0x3], $0x8000, $0x38;
	[tilespmem:$0x10000] =	vst v63  }
0xad: {  	_ =	swait.ge [sflag:s11], $0x8000  }
0xae: {  	[sflag:s11] =	ssyncset.done $0x0  }
0xaf: {  	[sflag:s11] =	ssyncadd.s32 $0xFFFF8000  }
0xb0: {  	[tilespmem:s6], [sflag:$0x2] =	stream.linear.gather [hbm4b:s25+s2], $0x8000, $0x38;
	[tilespmem:$0x10000] =	vst v63  }
0xb1: {  	_ =	swait.ge [sflag:s7], $0x8000  }
0xb2: {  	[sflag:s7] =	ssyncset.done $0x0  }
0xb3: {  	[sflag:s7] =	ssyncadd.s32 $0xFFFF8000  }
0xb4: {  	[hbm4b:s26+s2] =	stream.linear.scatter [tilespmem:s6], [sflag:$0x4], $0x8000, $0x38;
	[tilespmem:$0x10000] =	vst v63  }
0xb5: {  	_ =	swait.ge [sflag:s9], $0x8000  }
0xb6: {  	[sflag:s9] =	ssyncset.done $0x0  }
0xb7: {  	[sflag:s9] =	ssyncadd.s32 $0xFFFF8000  }
0xb8: {  	[tilespmem:s2], [sflag:$0x1] =	stream.linear.gather [hbm4b:s28+s2], $0x8000, $0x38;
	[tilespmem:$0x10000] =	vst v63  }
0xb9: {  	_ =	swait.ge [sflag:s3], $0x8000  }
0xba: {  	[sflag:s3] =	ssyncset.done $0x0  }
0xbb: {  	[sflag:s3] =	ssyncadd.s32 $0xFFFF8000  }
0xbc: {  	[hbm4b:s29+s2] =	stream.linear.scatter [tilespmem:s2], [sflag:$0x3], $0x8000, $0x38;
	[tilespmem:$0x10000] =	vst v63  }
0xbd: {  	_ =	swait.ge [sflag:s11], $0x8000  }
0xbe: {  	[sflag:s11] =	ssyncset.done $0x0  }
0xbf: {  	[sflag:s11] =	ssyncadd.s32 $0xFFFF8000  }
0xc0: {  	[tilespmem:s6], [sflag:$0x2] =	stream.linear.gather [hbm4b:s30+s2], $0x8000, $0x38;
	[tilespmem:$0x10000] =	vst v63  }
0xc1: {  	_ =	swait.ge [sflag:s7], $0x8000  }
0xc2: {  	[sflag:s7] =	ssyncset.done $0x0  }
0xc3: {  	p0 =	sne.s32 s1, $0x1;
	[sflag:s7] =	ssyncadd.s32 $0xFFFF8000  }
0xc4: {  	[hbm4b:s31+s2] =	stream.linear.scatter [tilespmem:s6], [sflag:$0x4], $0x8000, $0x38;
	[tilespmem:$0x10000] =	vst v63  }
.Ltmp1:
0xc5: {  	_ =	swait.ge [sflag:s9], $0x8000;
	(pc) =	sbr.rel @p0 .LBB2_1-.Ltmp1, $4  }
0xc6: {  	[sflag:s9] =	ssyncset.done $0x0  }
0xc7: {  	[sflag:s9] =	ssyncadd.s32 $0xFFFF8000  }
0xc8: {  	_ =	swait.ge [sflag:s11], $0x8000  }
0xc9: {  	s1 =	sadd.s32 $0xFFFFFFFF, s1;
	[sflag:s11] =	ssyncset.done $0x0  }
.LBB2_2:
0xca: {  	[sflag:s11] =	ssyncadd.s32 $0xFFFF8000  }
0xcb: {  	_ =	sfence.sel $0x180000  }
0xcc: {  	[bflag:$0x0] =	sbarrier.arrive $0xFFFF  }
0xcd: {  	_ =	strace $0x90000047  }
0xce: {  	s0 =	stileid.u32;
	[bflag:$0x2] =	sbarrier.arrive $0xFFFF  }
0xcf: {  	p0 =	sne.s32 s0, $0x0;
	s0 =	rddreg [dreg:$0x2]  }
0xd0: {  	s0 =	sadd.s32 @!p0 $0x100000, s0  }
0xd1: {  	[sflag:s0] =	ssyncadd.tile.s32 @!p0 $0x1;
	_ =	shalt  }
.Lfunc_end2:
_tile_overlayer_lowered:
.L_overlay_start_2:
0xd2: {  	(tag) =	ssettag $0x2  }
0xd3: {  	s0 =	rddreg [dreg:$0x0];
	s2 =	stileid.u32  }
0xd4: {  	s1 =	rddreg [dreg:$0x1];
	p0 =	sne.s32 s2, $0x0  }
0xd5: {  	s3 =	rddreg [dreg:$0x2];
	[bflag:$0x3] =	sbarrier.arrive $0xFFFF;
	s2 =	simm.s32 @!p0 $0x1C05  }
0xd6: {  	[timem:s3], [sflag:s2] =	dma.local @!p0 [hbm:s0], s1  }
0xd7: {  	s0 =	simm.s32 @!p0 $0x5  }
0xd8: {  	_ =	swait.ge @!p0 [sflag:s0], s1  }
0xd9: {  	s1 =	ssub.s32 @!p0 $0x0, s1;
	[sflag:s0] =	ssyncset.done @!p0 $0x0  }
0xda: {  	[sflag:s0] =	ssyncadd.s32 @!p0 s1  }
0xdb: {  	[bflag:$0x3] =	sbarrier.arrive $0xFFFF  }
0xdc: {  	_ =	shalt  }

</sc_bundles>
